<compile_context>
chip_gen: v7x
topology: tpu7x:2x2x1
jax: 0.10.2.dev20260603
libtpu: 0.0.44.dev20260713+nightly
codegen_flags: <defaults>
</compile_context>

<pallas_src>
import functools

import jax
import jax.numpy as jnp
from jax import lax
from jax.experimental import pallas as pl
from jax.experimental.pallas import tpu as pltpu
from jax.experimental.pallas import tpu_sc as plsc

VOCAB = 1000000
EMB = 64
MAX_LEN = 200
CLASSES = 100
BATCH = 4096

NC = 2
NS = 16
NW = NC * NS
B_PER_W = BATCH // NW
TOK_PER_W = B_PER_W * MAX_LEN
S0 = 128
S1 = MAX_LEN - S0


def _pool_body(idx_hbm, table_hbm, out_hbm, idx_v, buf0, buf1, stage,
               sem0, sem1):
    wid = lax.axis_index("s") * NC + lax.axis_index("c")
    base = wid * B_PER_W

    pltpu.sync_copy(idx_hbm.at[pl.ds(wid * TOK_PER_W, TOK_PER_W)], idx_v)

    def fire(i, buf, sem):
        tok = i * MAX_LEN
        pltpu.async_copy(table_hbm.at[idx_v.at[pl.ds(tok, S0)]],
                         buf.at[pl.ds(0, S0)], sem)
        pltpu.async_copy(table_hbm.at[idx_v.at[pl.ds(tok + S0, S1)]],
                         buf.at[pl.ds(S0, S1)], sem)

    def drain(buf, sem):
        pltpu.make_async_copy(table_hbm.at[idx_v.at[pl.ds(0, S0)]],
                              buf.at[pl.ds(0, S0)], sem).wait()
        pltpu.make_async_copy(table_hbm.at[idx_v.at[pl.ds(0, S1)]],
                              buf.at[pl.ds(S0, S1)], sem).wait()

    zero = jnp.zeros((16,), jnp.float32)

    def reduce_item(i, buf):
        def red(m, accs):
            a = tuple(
                accs[k] + buf[2 * m, pl.ds(16 * k, 16)] for k in range(4)
            )
            b = tuple(
                accs[4 + k] + buf[2 * m + 1, pl.ds(16 * k, 16)]
                for k in range(4)
            )
            return a + b
        accs = lax.fori_loop(0, MAX_LEN // 2, red, (zero,) * 8)
        for k in range(4):
            stage[i, pl.ds(16 * k, 16)] = accs[k] + accs[4 + k]

    fire(0, buf0, sem0)

    def pair_body(g, _):
        i0 = 2 * g
        fire(i0 + 1, buf1, sem1)
        drain(buf0, sem0)
        reduce_item(i0, buf0)

        @pl.when(g < B_PER_W // 2 - 1)
        def _():
            fire(i0 + 2, buf0, sem0)
        drain(buf1, sem1)
        reduce_item(i0 + 1, buf1)
        return 0

    lax.fori_loop(0, B_PER_W // 2, pair_body, 0)
    pltpu.sync_copy(stage, out_hbm.at[pl.ds(base, B_PER_W)])


_pool_call = functools.partial(
    pl.kernel,
    out_type=jax.ShapeDtypeStruct((BATCH, EMB), jnp.float32),
    mesh=plsc.VectorSubcoreMesh(core_axis_name="c", subcore_axis_name="s"),
    compiler_params=pltpu.CompilerParams(use_tc_tiling_on_sc=False),
    scratch_types=[
        pltpu.VMEM((TOK_PER_W,), jnp.int32),
        pltpu.VMEM((MAX_LEN, EMB), jnp.float32),
        pltpu.VMEM((MAX_LEN, EMB), jnp.float32),
        pltpu.VMEM((B_PER_W, EMB), jnp.float32),
        pltpu.SemaphoreType.DMA,
        pltpu.SemaphoreType.DMA,
    ],
)(_pool_body)


CPAD = 128
_DBLK = 512


def _dense_kernel(x_ref, w_ref, b_ref, o_ref):
    logits = jnp.dot(x_ref[...], w_ref[...],
                     preferred_element_type=jnp.float32) + b_ref[...]
    m = jnp.max(logits, axis=-1, keepdims=True)
    e = jnp.exp(logits - m)
    o_ref[...] = e / jnp.sum(e, axis=-1, keepdims=True)


_dense_call = pl.pallas_call(
    _dense_kernel,
    grid=(BATCH // _DBLK,),
    in_specs=[
        pl.BlockSpec((_DBLK, EMB), lambda i: (i, 0)),
        pl.BlockSpec((EMB, CPAD), lambda i: (0, 0)),
        pl.BlockSpec((1, CPAD), lambda i: (0, 0)),
    ],
    out_specs=pl.BlockSpec((_DBLK, CPAD), lambda i: (i, 0)),
    out_shape=jax.ShapeDtypeStruct((BATCH, CPAD), jnp.float32),
)


def kernel(inputs, table, W, b):
    idx = inputs.astype(jnp.int32).reshape(-1)
    pool_sum = _pool_call(idx, table)
    w_pad = jnp.pad(W * (1.0 / MAX_LEN), ((0, 0), (0, CPAD - CLASSES)))
    b_pad = jnp.concatenate(
        [b, jnp.full((CPAD - CLASSES,), -1e30, b.dtype)]).reshape(1, CPAD)
    out = _dense_call(pool_sum, w_pad, b_pad)
    return out[:, :CLASSES]

# --- scband reference (transcript-rebuilt; emitter-appended) ---
"""Pipeline reference for scband-fast-text-22213570855050 (READ-ONLY COPY).

The authoritative reference and input builder live on the scoring server;
editing this copy changes nothing except your own understanding.
"""

import jax, jax.numpy as jnp
import numpy as np

VOCAB = 1000000
EMB = 64
MAX_LEN = 200
CLASSES = 100
BATCH = 4096

def setup_inputs(seed: int = 0) -> dict:
    key = jax.random.key(seed)
    k1, k2, k3, k4 = jax.random.split(key, 4)
    inputs = jax.random.randint(k1, (BATCH, MAX_LEN), 0, VOCAB, dtype=jnp.int64 if jax.config.read('jax_enable_x64') else jnp.int32)
    table = jax.random.normal(k2, (VOCAB, EMB), dtype=jnp.float32) * 0.05
    W = jax.random.normal(k3, (EMB, CLASSES), dtype=jnp.float32) * (1.0 / np.sqrt(EMB))
    b = jnp.zeros((CLASSES,), dtype=jnp.float32)
    return {"inputs": inputs, "table": table, "W": W, "b": b}

def reference(inputs, table, W, b):
    # Embedding lookup (gather)
    emb = jnp.take(table, inputs, axis=0)          # [B, L, E]
    # GlobalAveragePooling1D over the sequence axis
    pool = jnp.mean(emb, axis=1)                   # [B, E]
    # Dense + softmax classifier
    logits = pool @ W + b                          # [B, C]
    out = jax.nn.softmax(logits, axis=-1)
    return out

if __name__ == "__main__":
    import jax
    _d = setup_inputs()
    print(jax.jit(kernel)(*tuple(_d.values())))

</pallas_src>

<mosaic_0001>
#map = affine_map<(d0, d1) -> (0)>
#map1 = affine_map<(d0, d1) -> (0, 0)>
module attributes {stable_mosaic.version = 14 : i64} {
  func.func @_pool_body(%arg0: i32, %arg1: i32, %arg2: memref<819200xi32, #tpu.memory_space<hbm>>, %arg3: memref<1000000x64xf32, #tpu.memory_space<hbm>>, %arg4: memref<4096x64xf32, #tpu.memory_space<hbm>>, %arg5: memref<25600xi32, #tpu.memory_space<vmem>>, %arg6: memref<200x64xf32, #tpu.memory_space<vmem>>, %arg7: memref<200x64xf32, #tpu.memory_space<vmem>>, %arg8: memref<128x64xf32, #tpu.memory_space<vmem>>, %arg9: memref<!tpu.dma_semaphore, #tpu.memory_space<semaphore_mem>>, %arg10: memref<!tpu.dma_semaphore, #tpu.memory_space<semaphore_mem>>) attributes {dimension_semantics = [#tpu.dimension_semantics<core_parallel>, #tpu.dimension_semantics<subcore_parallel>], iteration_bounds = array<i64: 2, 16>, scalar_prefetch = 0 : i64, scratch_operands = 6 : i64, tpu.core_type = #tpu.core_type<sc_vector_subcore>, window_params = [{transform_indices = #map}, {transform_indices = #map1}, {transform_indices = #map1}]} {
    %mul3A = arith.constant 2 : i32
    %mul3A_0 = arith.muli %arg1, %mul3A : i32
    %add3A = arith.addi %mul3A_0, %arg0 : i32
    %mul3A_1 = arith.constant 128 : i32
    %mul3A_2 = arith.muli %add3A, %mul3A_1 : i32
    %mul3A_3 = arith.constant 25600 : i32
    %mul3A_4 = arith.muli %add3A, %mul3A_3 : i32
    "tpu.region"() ({
      %run_scoped3A = tpu.sem_alloc : memref<!tpu.dma_semaphore, #tpu.memory_space<semaphore_mem>>
      %dma_start3A_27 = tpu.memref_slice %arg2[%mul3A_4] : memref<819200xi32, #tpu.memory_space<hbm>> -> memref<25600xi32, #tpu.memory_space<hbm>>
      %dma_start3A_28 = tpu.memref_slice %arg2[%mul3A_4] : memref<819200xi32, #tpu.memory_space<hbm>> -> memref<25600xi32, #tpu.memory_space<hbm>>
      tpu.enqueue_dma source(%dma_start3A_28 : memref<25600xi32, #tpu.memory_space<hbm>>) target(%arg5 : memref<25600xi32, #tpu.memory_space<vmem>>) target_semaphore(%run_scoped3A : memref<!tpu.dma_semaphore, #tpu.memory_space<semaphore_mem>>)
      %dma_wait3A = tpu.memref_slice %arg2[%mul3A_4] : memref<819200xi32, #tpu.memory_space<hbm>> -> memref<25600xi32, #tpu.memory_space<hbm>>
      %dma_wait3A_29 = tpu.memref_slice %arg2[%mul3A_4] : memref<819200xi32, #tpu.memory_space<hbm>> -> memref<25600xi32, #tpu.memory_space<hbm>>
      tpu.wait_dma2 semaphore(%run_scoped3A : memref<!tpu.dma_semaphore, #tpu.memory_space<semaphore_mem>>) src(%dma_wait3A_29 : memref<25600xi32, #tpu.memory_space<hbm>>) dst(%arg5 : memref<25600xi32, #tpu.memory_space<vmem>>)
      tpu.yield
    }) : () -> ()
    %broadcast_in_dim3A = arith.constant 0.000000e+00 : f32
    %broadcast_in_dim3A_5 = vector.broadcast %broadcast_in_dim3A : f32 to vector<16xf32>
    %dma_start3A = arith.constant 0 : i32
    %dma_start3A_6 = arith.constant 0 : i32
    %dma_start3A_7 = tpu.memref_slice %arg6[%dma_start3A, %dma_start3A_6] : memref<200x64xf32, #tpu.memory_space<vmem>> -> memref<128x64xf32, #tpu.memory_space<vmem>>
    %dma_start3A_8 = arith.constant 0 : i32
    %dma_start3A_9 = tpu.memref_slice %arg5[%dma_start3A_8] : memref<25600xi32, #tpu.memory_space<vmem>> -> memref<128xi32, #tpu.memory_space<vmem>>
    %dma_start3A_10 = arith.constant 0 : i32
    %dma_start3A_11 = arith.constant 0 : i32
    %dma_start3A_12 = tpu.memref_slice %arg3[%dma_start3A_10, %dma_start3A_11] : memref<1000000x64xf32, #tpu.memory_space<hbm>> -> memref<1000000x64xf32, #tpu.memory_space<hbm>>
    tpu.enqueue_indirect_dma source(%dma_start3A_12 : memref<1000000x64xf32, #tpu.memory_space<hbm>>) target(%dma_start3A_7 : memref<128x64xf32, #tpu.memory_space<vmem>>) offsets(%dma_start3A_9 : memref<128xi32, #tpu.memory_space<vmem>>) semaphore(%arg9 : memref<!tpu.dma_semaphore, #tpu.memory_space<semaphore_mem>>)
    %dma_start3A_13 = arith.constant 128 : i32
    %dma_start3A_14 = arith.constant 0 : i32
    %dma_start3A_15 = tpu.memref_slice %arg6[%dma_start3A_13, %dma_start3A_14] : memref<200x64xf32, #tpu.memory_space<vmem>> -> memref<72x64xf32, #tpu.memory_space<vmem>>
    %dma_start3A_16 = arith.constant 128 : i32
    %dma_start3A_17 = tpu.memref_slice %arg5[%dma_start3A_16] : memref<25600xi32, #tpu.memory_space<vmem>> -> memref<72xi32, #tpu.memory_space<vmem>>
    %dma_start3A_18 = arith.constant 0 : i32
    %dma_start3A_19 = arith.constant 0 : i32
    %dma_start3A_20 = tpu.memref_slice %arg3[%dma_start3A_18, %dma_start3A_19] : memref<1000000x64xf32, #tpu.memory_space<hbm>> -> memref<1000000x64xf32, #tpu.memory_space<hbm>>
    tpu.enqueue_indirect_dma source(%dma_start3A_20 : memref<1000000x64xf32, #tpu.memory_space<hbm>>) target(%dma_start3A_15 : memref<72x64xf32, #tpu.memory_space<vmem>>) offsets(%dma_start3A_17 : memref<72xi32, #tpu.memory_space<vmem>>) semaphore(%arg9 : memref<!tpu.dma_semaphore, #tpu.memory_space<semaphore_mem>>)
    %scan3A = arith.constant 0 : i32
    %scan3A_21 = arith.constant 0 : i32
    %scan3A_22 = arith.constant 64 : i32
    %scan3A_23 = arith.addi %scan3A_21, %scan3A_22 : i32
    %scan3A_24 = arith.constant 1 : i32
    %scan3A_25 = scf.for %scan3A_27 = %scan3A_21 to %scan3A_23 step %scan3A_24 iter_args(%scan3A_28 = %scan3A) -> (i32)  : i32 {
      %mul3A_29 = arith.constant 2 : i32
      %mul3A_30 = arith.muli %mul3A_29, %scan3A_27 : i32
      %add3A_31 = arith.constant 1 : i32
      %add3A_32 = arith.addi %mul3A_30, %add3A_31 : i32
      %mul3A_33 = arith.constant 200 : i32
      %mul3A_34 = arith.muli %add3A_32, %mul3A_33 : i32
      %dma_start3A_35 = arith.constant 0 : i32
      %dma_start3A_36 = arith.constant 0 : i32
      %dma_start3A_37 = tpu.memref_slice %arg7[%dma_start3A_35, %dma_start3A_36] : memref<200x64xf32, #tpu.memory_space<vmem>> -> memref<128x64xf32, #tpu.memory_space<vmem>>
      %dma_start3A_38 = tpu.memref_slice %arg5[%mul3A_34] : memref<25600xi32, #tpu.memory_space<vmem>> -> memref<128xi32, #tpu.memory_space<vmem>>
      %dma_start3A_39 = arith.constant 0 : i32
      %dma_start3A_40 = arith.constant 0 : i32
      %dma_start3A_41 = tpu.memref_slice %arg3[%dma_start3A_39, %dma_start3A_40] : memref<1000000x64xf32, #tpu.memory_space<hbm>> -> memref<1000000x64xf32, #tpu.memory_space<hbm>>
      tpu.enqueue_indirect_dma source(%dma_start3A_41 : memref<1000000x64xf32, #tpu.memory_space<hbm>>) target(%dma_start3A_37 : memref<128x64xf32, #tpu.memory_space<vmem>>) offsets(%dma_start3A_38 : memref<128xi32, #tpu.memory_space<vmem>>) semaphore(%arg10 : memref<!tpu.dma_semaphore, #tpu.memory_space<semaphore_mem>>)
      %add3A_42 = arith.constant 128 : i32
      %add3A_43 = arith.addi %mul3A_34, %add3A_42 : i32
      %dma_start3A_44 = arith.constant 128 : i32
      %dma_start3A_45 = arith.constant 0 : i32
      %dma_start3A_46 = tpu.memref_slice %arg7[%dma_start3A_44, %dma_start3A_45] : memref<200x64xf32, #tpu.memory_space<vmem>> -> memref<72x64xf32, #tpu.memory_space<vmem>>
      %dma_start3A_47 = tpu.memref_slice %arg5[%add3A_43] : memref<25600xi32, #tpu.memory_space<vmem>> -> memref<72xi32, #tpu.memory_space<vmem>>
      %dma_start3A_48 = arith.constant 0 : i32
      %dma_start3A_49 = arith.constant 0 : i32
      %dma_start3A_50 = tpu.memref_slice %arg3[%dma_start3A_48, %dma_start3A_49] : memref<1000000x64xf32, #tpu.memory_space<hbm>> -> memref<1000000x64xf32, #tpu.memory_space<hbm>>
      tpu.enqueue_indirect_dma source(%dma_start3A_50 : memref<1000000x64xf32, #tpu.memory_space<hbm>>) target(%dma_start3A_46 : memref<72x64xf32, #tpu.memory_space<vmem>>) offsets(%dma_start3A_47 : memref<72xi32, #tpu.memory_space<vmem>>) semaphore(%arg10 : memref<!tpu.dma_semaphore, #tpu.memory_space<semaphore_mem>>)
      %dma_wait3A = arith.constant 0 : i32
      %dma_wait3A_51 = arith.constant 0 : i32
      %dma_wait3A_52 = tpu.memref_slice %arg6[%dma_wait3A, %dma_wait3A_51] : memref<200x64xf32, #tpu.memory_space<vmem>> -> memref<128x64xf32, #tpu.memory_space<vmem>>
      %dma_wait3A_53 = arith.constant 0 : i32
      %dma_wait3A_54 = tpu.memref_slice %arg5[%dma_wait3A_53] : memref<25600xi32, #tpu.memory_space<vmem>> -> memref<128xi32, #tpu.memory_space<vmem>>
      %dma_wait3A_55 = arith.constant 0 : i32
      %dma_wait3A_56 = arith.constant 0 : i32
      %dma_wait3A_57 = tpu.memref_slice %arg3[%dma_wait3A_55, %dma_wait3A_56] : memref<1000000x64xf32, #tpu.memory_space<hbm>> -> memref<1000000x64xf32, #tpu.memory_space<hbm>>
      tpu.wait_indirect_dma semaphore(%arg9 : memref<!tpu.dma_semaphore, #tpu.memory_space<semaphore_mem>>) src(%dma_wait3A_57 : memref<1000000x64xf32, #tpu.memory_space<hbm>>) dst(%dma_wait3A_52 : memref<128x64xf32, #tpu.memory_space<vmem>>)
      %dma_wait3A_58 = arith.constant 128 : i32
      %dma_wait3A_59 = arith.constant 0 : i32
      %dma_wait3A_60 = tpu.memref_slice %arg6[%dma_wait3A_58, %dma_wait3A_59] : memref<200x64xf32, #tpu.memory_space<vmem>> -> memref<72x64xf32, #tpu.memory_space<vmem>>
      %dma_wait3A_61 = arith.constant 0 : i32
      %dma_wait3A_62 = tpu.memref_slice %arg5[%dma_wait3A_61] : memref<25600xi32, #tpu.memory_space<vmem>> -> memref<72xi32, #tpu.memory_space<vmem>>
      %dma_wait3A_63 = arith.constant 0 : i32
      %dma_wait3A_64 = arith.constant 0 : i32
      %dma_wait3A_65 = tpu.memref_slice %arg3[%dma_wait3A_63, %dma_wait3A_64] : memref<1000000x64xf32, #tpu.memory_space<hbm>> -> memref<1000000x64xf32, #tpu.memory_space<hbm>>
      tpu.wait_indirect_dma semaphore(%arg9 : memref<!tpu.dma_semaphore, #tpu.memory_space<semaphore_mem>>) src(%dma_wait3A_65 : memref<1000000x64xf32, #tpu.memory_space<hbm>>) dst(%dma_wait3A_60 : memref<72x64xf32, #tpu.memory_space<vmem>>)
      %scan3A_66 = arith.constant 0 : i32
      %scan3A_67 = arith.constant 100 : i32
      %scan3A_68 = arith.addi %scan3A_66, %scan3A_67 : i32
      %scan3A_69 = arith.constant 1 : i32
      %scan3A_70:8 = scf.for %scan3A_146 = %scan3A_66 to %scan3A_68 step %scan3A_69 iter_args(%scan3A_147 = %broadcast_in_dim3A_5, %scan3A_148 = %broadcast_in_dim3A_5, %scan3A_149 = %broadcast_in_dim3A_5, %scan3A_150 = %broadcast_in_dim3A_5, %scan3A_151 = %broadcast_in_dim3A_5, %scan3A_152 = %broadcast_in_dim3A_5, %scan3A_153 = %broadcast_in_dim3A_5, %scan3A_154 = %broadcast_in_dim3A_5) -> (vector<16xf32>, vector<16xf32>, vector<16xf32>, vector<16xf32>, vector<16xf32>, vector<16xf32>, vector<16xf32>, vector<16xf32>)  : i32 {
        %mul3A_155 = arith.constant 2 : i32
        %mul3A_156 = arith.muli %mul3A_155, %scan3A_146 : i32
        %get3A = arith.index_cast %mul3A_156 : i32 to index
        %get3A_157 = arith.constant 0 : index
        %get3A_158 = tpu.vector_load %arg6[%get3A, %get3A_157] {strides = array<i32>} : memref<200x64xf32, #tpu.memory_space<vmem>>, vector<1x16xf32>,
        %get3A_159 = vector.shape_cast %get3A_158 : vector<1x16xf32> to vector<16xf32>
        %add3A_160 = arith.addf %scan3A_147, %get3A_159 : vector<16xf32>
        %mul3A_161 = arith.constant 2 : i32
        %mul3A_162 = arith.muli %mul3A_161, %scan3A_146 : i32
        %get3A_163 = arith.index_cast %mul3A_162 : i32 to index
        %get3A_164 = arith.constant 16 : index
        %get3A_165 = tpu.vector_load %arg6[%get3A_163, %get3A_164] {strides = array<i32>} : memref<200x64xf32, #tpu.memory_space<vmem>>, vector<1x16xf32>,
        %get3A_166 = vector.shape_cast %get3A_165 : vector<1x16xf32> to vector<16xf32>
        %add3A_167 = arith.addf %scan3A_148, %get3A_166 : vector<16xf32>
        %mul3A_168 = arith.constant 2 : i32
        %mul3A_169 = arith.muli %mul3A_168, %scan3A_146 : i32
        %get3A_170 = arith.index_cast %mul3A_169 : i32 to index
        %get3A_171 = arith.constant 32 : index
        %get3A_172 = tpu.vector_load %arg6[%get3A_170, %get3A_171] {strides = array<i32>} : memref<200x64xf32, #tpu.memory_space<vmem>>, vector<1x16xf32>,
        %get3A_173 = vector.shape_cast %get3A_172 : vector<1x16xf32> to vector<16xf32>
        %add3A_174 = arith.addf %scan3A_149, %get3A_173 : vector<16xf32>
        %mul3A_175 = arith.constant 2 : i32
        %mul3A_176 = arith.muli %mul3A_175, %scan3A_146 : i32
        %get3A_177 = arith.index_cast %mul3A_176 : i32 to index
        %get3A_178 = arith.constant 48 : index
        %get3A_179 = tpu.vector_load %arg6[%get3A_177, %get3A_178] {strides = array<i32>} : memref<200x64xf32, #tpu.memory_space<vmem>>, vector<1x16xf32>,
        %get3A_180 = vector.shape_cast %get3A_179 : vector<1x16xf32> to vector<16xf32>
        %add3A_181 = arith.addf %scan3A_150, %get3A_180 : vector<16xf32>
        %mul3A_182 = arith.constant 2 : i32
        %mul3A_183 = arith.muli %mul3A_182, %scan3A_146 : i32
        %add3A_184 = arith.constant 1 : i32
        %add3A_185 = arith.addi %mul3A_183, %add3A_184 : i32
        %get3A_186 = arith.index_cast %add3A_185 : i32 to index
        %get3A_187 = arith.constant 0 : index
        %get3A_188 = tpu.vector_load %arg6[%get3A_186, %get3A_187] {strides = array<i32>} : memref<200x64xf32, #tpu.memory_space<vmem>>, vector<1x16xf32>,
        %get3A_189 = vector.shape_cast %get3A_188 : vector<1x16xf32> to vector<16xf32>
        %add3A_190 = arith.addf %scan3A_151, %get3A_189 : vector<16xf32>
        %mul3A_191 = arith.constant 2 : i32
        %mul3A_192 = arith.muli %mul3A_191, %scan3A_146 : i32
        %add3A_193 = arith.constant 1 : i32
        %add3A_194 = arith.addi %mul3A_192, %add3A_193 : i32
        %get3A_195 = arith.index_cast %add3A_194 : i32 to index
        %get3A_196 = arith.constant 16 : index
        %get3A_197 = tpu.vector_load %arg6[%get3A_195, %get3A_196] {strides = array<i32>} : memref<200x64xf32, #tpu.memory_space<vmem>>, vector<1x16xf32>,
        %get3A_198 = vector.shape_cast %get3A_197 : vector<1x16xf32> to vector<16xf32>
        %add3A_199 = arith.addf %scan3A_152, %get3A_198 : vector<16xf32>
        %mul3A_200 = arith.constant 2 : i32
        %mul3A_201 = arith.muli %mul3A_200, %scan3A_146 : i32
        %add3A_202 = arith.constant 1 : i32
        %add3A_203 = arith.addi %mul3A_201, %add3A_202 : i32
        %get3A_204 = arith.index_cast %add3A_203 : i32 to index
        %get3A_205 = arith.constant 32 : index
        %get3A_206 = tpu.vector_load %arg6[%get3A_204, %get3A_205] {strides = array<i32>} : memref<200x64xf32, #tpu.memory_space<vmem>>, vector<1x16xf32>,
        %get3A_207 = vector.shape_cast %get3A_206 : vector<1x16xf32> to vector<16xf32>
        %add3A_208 = arith.addf %scan3A_153, %get3A_207 : vector<16xf32>
        %mul3A_209 = arith.constant 2 : i32
        %mul3A_210 = arith.muli %mul3A_209, %scan3A_146 : i32
        %add3A_211 = arith.constant 1 : i32
        %add3A_212 = arith.addi %mul3A_210, %add3A_211 : i32
        %get3A_213 = arith.index_cast %add3A_212 : i32 to index
        %get3A_214 = arith.constant 48 : index
        %get3A_215 = tpu.vector_load %arg6[%get3A_213, %get3A_214] {strides = array<i32>} : memref<200x64xf32, #tpu.memory_space<vmem>>, vector<1x16xf32>,
        %get3A_216 = vector.shape_cast %get3A_215 : vector<1x16xf32> to vector<16xf32>
        %add3A_217 = arith.addf %scan3A_154, %get3A_216 : vector<16xf32>
        scf.yield %add3A_160, %add3A_167, %add3A_174, %add3A_181, %add3A_190, %add3A_199, %add3A_208, %add3A_217 : vector<16xf32>, vector<16xf32>, vector<16xf32>, vector<16xf32>, vector<16xf32>, vector<16xf32>, vector<16xf32>, vector<16xf32>
      }
      %scan3A_71 = arith.constant 100 : i32
      %add3A_72 = arith.addf %scan3A_70#0, %scan3A_70#4 : vector<16xf32>
      %swap3A = arith.index_cast %mul3A_30 : i32 to index
      %swap3A_73 = arith.constant 0 : index
      %swap3A_74 = tpu.vector_load %arg8[%swap3A, %swap3A_73] {strides = array<i32>} : memref<128x64xf32, #tpu.memory_space<vmem>>, vector<1x16xf32>,
      %swap3A_75 = vector.shape_cast %swap3A_74 : vector<1x16xf32> to vector<16xf32>
      %swap3A_76 = vector.shape_cast %add3A_72 : vector<16xf32> to vector<1x16xf32>
      tpu.vector_store %arg8[%swap3A, %swap3A_73], %swap3A_76 {strides = array<i32>} : memref<128x64xf32, #tpu.memory_space<vmem>>, vector<1x16xf32>,
      %add3A_77 = arith.addf %scan3A_70#1, %scan3A_70#5 : vector<16xf32>
      %swap3A_78 = arith.index_cast %mul3A_30 : i32 to index
      %swap3A_79 = arith.constant 16 : index
      %swap3A_80 = tpu.vector_load %arg8[%swap3A_78, %swap3A_79] {strides = array<i32>} : memref<128x64xf32, #tpu.memory_space<vmem>>, vector<1x16xf32>,
      %swap3A_81 = vector.shape_cast %swap3A_80 : vector<1x16xf32> to vector<16xf32>
      %swap3A_82 = vector.shape_cast %add3A_77 : vector<16xf32> to vector<1x16xf32>
      tpu.vector_store %arg8[%swap3A_78, %swap3A_79], %swap3A_82 {strides = array<i32>} : memref<128x64xf32, #tpu.memory_space<vmem>>, vector<1x16xf32>,
      %add3A_83 = arith.addf %scan3A_70#2, %scan3A_70#6 : vector<16xf32>
      %swap3A_84 = arith.index_cast %mul3A_30 : i32 to index
      %swap3A_85 = arith.constant 32 : index
      %swap3A_86 = tpu.vector_load %arg8[%swap3A_84, %swap3A_85] {strides = array<i32>} : memref<128x64xf32, #tpu.memory_space<vmem>>, vector<1x16xf32>,
      %swap3A_87 = vector.shape_cast %swap3A_86 : vector<1x16xf32> to vector<16xf32>
      %swap3A_88 = vector.shape_cast %add3A_83 : vector<16xf32> to vector<1x16xf32>
      tpu.vector_store %arg8[%swap3A_84, %swap3A_85], %swap3A_88 {strides = array<i32>} : memref<128x64xf32, #tpu.memory_space<vmem>>, vector<1x16xf32>,
      %add3A_89 = arith.addf %scan3A_70#3, %scan3A_70#7 : vector<16xf32>
      %swap3A_90 = arith.index_cast %mul3A_30 : i32 to index
      %swap3A_91 = arith.constant 48 : index
      %swap3A_92 = tpu.vector_load %arg8[%swap3A_90, %swap3A_91] {strides = array<i32>} : memref<128x64xf32, #tpu.memory_space<vmem>>, vector<1x16xf32>,
      %swap3A_93 = vector.shape_cast %swap3A_92 : vector<1x16xf32> to vector<16xf32>
      %swap3A_94 = vector.shape_cast %add3A_89 : vector<16xf32> to vector<1x16xf32>
      tpu.vector_store %arg8[%swap3A_90, %swap3A_91], %swap3A_94 {strides = array<i32>} : memref<128x64xf32, #tpu.memory_space<vmem>>, vector<1x16xf32>,
      %lt3A = arith.constant 63 : i32
      %lt3A_95 = arith.cmpi slt, %scan3A_27, %lt3A : i32
      %convert_element_type3A = arith.extui %lt3A_95 : i1 to i32
      %cond3A = arith.constant 0 : i32
      %cond3A_96 = arith.cmpi ne, %convert_element_type3A, %cond3A : i32
      scf.if %cond3A_96 {
        %add3A_146 = arith.constant 2 : i32
        %add3A_147 = arith.addi %mul3A_30, %add3A_146 : i32
        %mul3A_148 = arith.constant 200 : i32
        %mul3A_149 = arith.muli %add3A_147, %mul3A_148 : i32
        %dma_start3A_150 = arith.constant 0 : i32
        %dma_start3A_151 = arith.constant 0 : i32
        %dma_start3A_152 = tpu.memref_slice %arg6[%dma_start3A_150, %dma_start3A_151] : memref<200x64xf32, #tpu.memory_space<vmem>> -> memref<128x64xf32, #tpu.memory_space<vmem>>
        %dma_start3A_153 = tpu.memref_slice %arg5[%mul3A_149] : memref<25600xi32, #tpu.memory_space<vmem>> -> memref<128xi32, #tpu.memory_space<vmem>>
        %dma_start3A_154 = arith.constant 0 : i32
        %dma_start3A_155 = arith.constant 0 : i32
        %dma_start3A_156 = tpu.memref_slice %arg3[%dma_start3A_154, %dma_start3A_155] : memref<1000000x64xf32, #tpu.memory_space<hbm>> -> memref<1000000x64xf32, #tpu.memory_space<hbm>>
        tpu.enqueue_indirect_dma source(%dma_start3A_156 : memref<1000000x64xf32, #tpu.memory_space<hbm>>) target(%dma_start3A_152 : memref<128x64xf32, #tpu.memory_space<vmem>>) offsets(%dma_start3A_153 : memref<128xi32, #tpu.memory_space<vmem>>) semaphore(%arg9 : memref<!tpu.dma_semaphore, #tpu.memory_space<semaphore_mem>>)
        %add3A_157 = arith.constant 128 : i32
        %add3A_158 = arith.addi %mul3A_149, %add3A_157 : i32
        %dma_start3A_159 = arith.constant 128 : i32
        %dma_start3A_160 = arith.constant 0 : i32
        %dma_start3A_161 = tpu.memref_slice %arg6[%dma_start3A_159, %dma_start3A_160] : memref<200x64xf32, #tpu.memory_space<vmem>> -> memref<72x64xf32, #tpu.memory_space<vmem>>
        %dma_start3A_162 = tpu.memref_slice %arg5[%add3A_158] : memref<25600xi32, #tpu.memory_space<vmem>> -> memref<72xi32, #tpu.memory_space<vmem>>
        %dma_start3A_163 = arith.constant 0 : i32
        %dma_start3A_164 = arith.constant 0 : i32
        %dma_start3A_165 = tpu.memref_slice %arg3[%dma_start3A_163, %dma_start3A_164] : memref<1000000x64xf32, #tpu.memory_space<hbm>> -> memref<1000000x64xf32, #tpu.memory_space<hbm>>
        tpu.enqueue_indirect_dma source(%dma_start3A_165 : memref<1000000x64xf32, #tpu.memory_space<hbm>>) target(%dma_start3A_161 : memref<72x64xf32, #tpu.memory_space<vmem>>) offsets(%dma_start3A_162 : memref<72xi32, #tpu.memory_space<vmem>>) semaphore(%arg9 : memref<!tpu.dma_semaphore, #tpu.memory_space<semaphore_mem>>)
      } else {
      }
      %dma_wait3A_97 = arith.constant 0 : i32
      %dma_wait3A_98 = arith.constant 0 : i32
      %dma_wait3A_99 = tpu.memref_slice %arg7[%dma_wait3A_97, %dma_wait3A_98] : memref<200x64xf32, #tpu.memory_space<vmem>> -> memref<128x64xf32, #tpu.memory_space<vmem>>
      %dma_wait3A_100 = arith.constant 0 : i32
      %dma_wait3A_101 = tpu.memref_slice %arg5[%dma_wait3A_100] : memref<25600xi32, #tpu.memory_space<vmem>> -> memref<128xi32, #tpu.memory_space<vmem>>
      %dma_wait3A_102 = arith.constant 0 : i32
      %dma_wait3A_103 = arith.constant 0 : i32
      %dma_wait3A_104 = tpu.memref_slice %arg3[%dma_wait3A_102, %dma_wait3A_103] : memref<1000000x64xf32, #tpu.memory_space<hbm>> -> memref<1000000x64xf32, #tpu.memory_space<hbm>>
      tpu.wait_indirect_dma semaphore(%arg10 : memref<!tpu.dma_semaphore, #tpu.memory_space<semaphore_mem>>) src(%dma_wait3A_104 : memref<1000000x64xf32, #tpu.memory_space<hbm>>) dst(%dma_wait3A_99 : memref<128x64xf32, #tpu.memory_space<vmem>>)
      %dma_wait3A_105 = arith.constant 128 : i32
      %dma_wait3A_106 = arith.constant 0 : i32
      %dma_wait3A_107 = tpu.memref_slice %arg7[%dma_wait3A_105, %dma_wait3A_106] : memref<200x64xf32, #tpu.memory_space<vmem>> -> memref<72x64xf32, #tpu.memory_space<vmem>>
      %dma_wait3A_108 = arith.constant 0 : i32
      %dma_wait3A_109 = tpu.memref_slice %arg5[%dma_wait3A_108] : memref<25600xi32, #tpu.memory_space<vmem>> -> memref<72xi32, #tpu.memory_space<vmem>>
      %dma_wait3A_110 = arith.constant 0 : i32
      %dma_wait3A_111 = arith.constant 0 : i32
      %dma_wait3A_112 = tpu.memref_slice %arg3[%dma_wait3A_110, %dma_wait3A_111] : memref<1000000x64xf32, #tpu.memory_space<hbm>> -> memref<1000000x64xf32, #tpu.memory_space<hbm>>
      tpu.wait_indirect_dma semaphore(%arg10 : memref<!tpu.dma_semaphore, #tpu.memory_space<semaphore_mem>>) src(%dma_wait3A_112 : memref<1000000x64xf32, #tpu.memory_space<hbm>>) dst(%dma_wait3A_107 : memref<72x64xf32, #tpu.memory_space<vmem>>)
      %add3A_113 = arith.constant 1 : i32
      %add3A_114 = arith.addi %mul3A_30, %add3A_113 : i32
      %scan3A_115 = arith.constant 0 : i32
      %scan3A_116 = arith.constant 100 : i32
      %scan3A_117 = arith.addi %scan3A_115, %scan3A_116 : i32
      %scan3A_118 = arith.constant 1 : i32
      %scan3A_119:8 = scf.for %scan3A_146 = %scan3A_115 to %scan3A_117 step %scan3A_118 iter_args(%scan3A_147 = %broadcast_in_dim3A_5, %scan3A_148 = %broadcast_in_dim3A_5, %scan3A_149 = %broadcast_in_dim3A_5, %scan3A_150 = %broadcast_in_dim3A_5, %scan3A_151 = %broadcast_in_dim3A_5, %scan3A_152 = %broadcast_in_dim3A_5, %scan3A_153 = %broadcast_in_dim3A_5, %scan3A_154 = %broadcast_in_dim3A_5) -> (vector<16xf32>, vector<16xf32>, vector<16xf32>, vector<16xf32>, vector<16xf32>, vector<16xf32>, vector<16xf32>, vector<16xf32>)  : i32 {
        %mul3A_155 = arith.constant 2 : i32
        %mul3A_156 = arith.muli %mul3A_155, %scan3A_146 : i32
        %get3A = arith.index_cast %mul3A_156 : i32 to index
        %get3A_157 = arith.constant 0 : index
        %get3A_158 = tpu.vector_load %arg7[%get3A, %get3A_157] {strides = array<i32>} : memref<200x64xf32, #tpu.memory_space<vmem>>, vector<1x16xf32>,
        %get3A_159 = vector.shape_cast %get3A_158 : vector<1x16xf32> to vector<16xf32>
        %add3A_160 = arith.addf %scan3A_147, %get3A_159 : vector<16xf32>
        %mul3A_161 = arith.constant 2 : i32
        %mul3A_162 = arith.muli %mul3A_161, %scan3A_146 : i32
        %get3A_163 = arith.index_cast %mul3A_162 : i32 to index
        %get3A_164 = arith.constant 16 : index
        %get3A_165 = tpu.vector_load %arg7[%get3A_163, %get3A_164] {strides = array<i32>} : memref<200x64xf32, #tpu.memory_space<vmem>>, vector<1x16xf32>,
        %get3A_166 = vector.shape_cast %get3A_165 : vector<1x16xf32> to vector<16xf32>
        %add3A_167 = arith.addf %scan3A_148, %get3A_166 : vector<16xf32>
        %mul3A_168 = arith.constant 2 : i32
        %mul3A_169 = arith.muli %mul3A_168, %scan3A_146 : i32
        %get3A_170 = arith.index_cast %mul3A_169 : i32 to index
        %get3A_171 = arith.constant 32 : index
        %get3A_172 = tpu.vector_load %arg7[%get3A_170, %get3A_171] {strides = array<i32>} : memref<200x64xf32, #tpu.memory_space<vmem>>, vector<1x16xf32>,
        %get3A_173 = vector.shape_cast %get3A_172 : vector<1x16xf32> to vector<16xf32>
        %add3A_174 = arith.addf %scan3A_149, %get3A_173 : vector<16xf32>
        %mul3A_175 = arith.constant 2 : i32
        %mul3A_176 = arith.muli %mul3A_175, %scan3A_146 : i32
        %get3A_177 = arith.index_cast %mul3A_176 : i32 to index
        %get3A_178 = arith.constant 48 : index
        %get3A_179 = tpu.vector_load %arg7[%get3A_177, %get3A_178] {strides = array<i32>} : memref<200x64xf32, #tpu.memory_space<vmem>>, vector<1x16xf32>,
        %get3A_180 = vector.shape_cast %get3A_179 : vector<1x16xf32> to vector<16xf32>
        %add3A_181 = arith.addf %scan3A_150, %get3A_180 : vector<16xf32>
        %mul3A_182 = arith.constant 2 : i32
        %mul3A_183 = arith.muli %mul3A_182, %scan3A_146 : i32
        %add3A_184 = arith.constant 1 : i32
        %add3A_185 = arith.addi %mul3A_183, %add3A_184 : i32
        %get3A_186 = arith.index_cast %add3A_185 : i32 to index
        %get3A_187 = arith.constant 0 : index
        %get3A_188 = tpu.vector_load %arg7[%get3A_186, %get3A_187] {strides = array<i32>} : memref<200x64xf32, #tpu.memory_space<vmem>>, vector<1x16xf32>,
        %get3A_189 = vector.shape_cast %get3A_188 : vector<1x16xf32> to vector<16xf32>
        %add3A_190 = arith.addf %scan3A_151, %get3A_189 : vector<16xf32>
        %mul3A_191 = arith.constant 2 : i32
        %mul3A_192 = arith.muli %mul3A_191, %scan3A_146 : i32
        %add3A_193 = arith.constant 1 : i32
        %add3A_194 = arith.addi %mul3A_192, %add3A_193 : i32
        %get3A_195 = arith.index_cast %add3A_194 : i32 to index
        %get3A_196 = arith.constant 16 : index
        %get3A_197 = tpu.vector_load %arg7[%get3A_195, %get3A_196] {strides = array<i32>} : memref<200x64xf32, #tpu.memory_space<vmem>>, vector<1x16xf32>,
        %get3A_198 = vector.shape_cast %get3A_197 : vector<1x16xf32> to vector<16xf32>
        %add3A_199 = arith.addf %scan3A_152, %get3A_198 : vector<16xf32>
        %mul3A_200 = arith.constant 2 : i32
        %mul3A_201 = arith.muli %mul3A_200, %scan3A_146 : i32
        %add3A_202 = arith.constant 1 : i32
        %add3A_203 = arith.addi %mul3A_201, %add3A_202 : i32
        %get3A_204 = arith.index_cast %add3A_203 : i32 to index
        %get3A_205 = arith.constant 32 : index
        %get3A_206 = tpu.vector_load %arg7[%get3A_204, %get3A_205] {strides = array<i32>} : memref<200x64xf32, #tpu.memory_space<vmem>>, vector<1x16xf32>,
        %get3A_207 = vector.shape_cast %get3A_206 : vector<1x16xf32> to vector<16xf32>
        %add3A_208 = arith.addf %scan3A_153, %get3A_207 : vector<16xf32>
        %mul3A_209 = arith.constant 2 : i32
        %mul3A_210 = arith.muli %mul3A_209, %scan3A_146 : i32
        %add3A_211 = arith.constant 1 : i32
        %add3A_212 = arith.addi %mul3A_210, %add3A_211 : i32
        %get3A_213 = arith.index_cast %add3A_212 : i32 to index
        %get3A_214 = arith.constant 48 : index
        %get3A_215 = tpu.vector_load %arg7[%get3A_213, %get3A_214] {strides = array<i32>} : memref<200x64xf32, #tpu.memory_space<vmem>>, vector<1x16xf32>,
        %get3A_216 = vector.shape_cast %get3A_215 : vector<1x16xf32> to vector<16xf32>
        %add3A_217 = arith.addf %scan3A_154, %get3A_216 : vector<16xf32>
        scf.yield %add3A_160, %add3A_167, %add3A_174, %add3A_181, %add3A_190, %add3A_199, %add3A_208, %add3A_217 : vector<16xf32>, vector<16xf32>, vector<16xf32>, vector<16xf32>, vector<16xf32>, vector<16xf32>, vector<16xf32>, vector<16xf32>
      }
      %scan3A_120 = arith.constant 100 : i32
      %add3A_121 = arith.addf %scan3A_119#0, %scan3A_119#4 : vector<16xf32>
      %swap3A_122 = arith.index_cast %add3A_114 : i32 to index
      %swap3A_123 = arith.constant 0 : index
      %swap3A_124 = tpu.vector_load %arg8[%swap3A_122, %swap3A_123] {strides = array<i32>} : memref<128x64xf32, #tpu.memory_space<vmem>>, vector<1x16xf32>,
      %swap3A_125 = vector.shape_cast %swap3A_124 : vector<1x16xf32> to vector<16xf32>
      %swap3A_126 = vector.shape_cast %add3A_121 : vector<16xf32> to vector<1x16xf32>
      tpu.vector_store %arg8[%swap3A_122, %swap3A_123], %swap3A_126 {strides = array<i32>} : memref<128x64xf32, #tpu.memory_space<vmem>>, vector<1x16xf32>,
      %add3A_127 = arith.addf %scan3A_119#1, %scan3A_119#5 : vector<16xf32>
      %swap3A_128 = arith.index_cast %add3A_114 : i32 to index
      %swap3A_129 = arith.constant 16 : index
      %swap3A_130 = tpu.vector_load %arg8[%swap3A_128, %swap3A_129] {strides = array<i32>} : memref<128x64xf32, #tpu.memory_space<vmem>>, vector<1x16xf32>,
      %swap3A_131 = vector.shape_cast %swap3A_130 : vector<1x16xf32> to vector<16xf32>
      %swap3A_132 = vector.shape_cast %add3A_127 : vector<16xf32> to vector<1x16xf32>
      tpu.vector_store %arg8[%swap3A_128, %swap3A_129], %swap3A_132 {strides = array<i32>} : memref<128x64xf32, #tpu.memory_space<vmem>>, vector<1x16xf32>,
      %add3A_133 = arith.addf %scan3A_119#2, %scan3A_119#6 : vector<16xf32>
      %swap3A_134 = arith.index_cast %add3A_114 : i32 to index
      %swap3A_135 = arith.constant 32 : index
      %swap3A_136 = tpu.vector_load %arg8[%swap3A_134, %swap3A_135] {strides = array<i32>} : memref<128x64xf32, #tpu.memory_space<vmem>>, vector<1x16xf32>,
      %swap3A_137 = vector.shape_cast %swap3A_136 : vector<1x16xf32> to vector<16xf32>
      %swap3A_138 = vector.shape_cast %add3A_133 : vector<16xf32> to vector<1x16xf32>
      tpu.vector_store %arg8[%swap3A_134, %swap3A_135], %swap3A_138 {strides = array<i32>} : memref<128x64xf32, #tpu.memory_space<vmem>>, vector<1x16xf32>,
      %add3A_139 = arith.addf %scan3A_119#3, %scan3A_119#7 : vector<16xf32>
      %swap3A_140 = arith.index_cast %add3A_114 : i32 to index
      %swap3A_141 = arith.constant 48 : index
      %swap3A_142 = tpu.vector_load %arg8[%swap3A_140, %swap3A_141] {strides = array<i32>} : memref<128x64xf32, #tpu.memory_space<vmem>>, vector<1x16xf32>,
      %swap3A_143 = vector.shape_cast %swap3A_142 : vector<1x16xf32> to vector<16xf32>
      %swap3A_144 = vector.shape_cast %add3A_139 : vector<16xf32> to vector<1x16xf32>
      tpu.vector_store %arg8[%swap3A_140, %swap3A_141], %swap3A_144 {strides = array<i32>} : memref<128x64xf32, #tpu.memory_space<vmem>>, vector<1x16xf32>,
      %scan3A_145 = arith.constant 0 : i32
      scf.yield %scan3A_145 : i32
    }
    %scan3A_26 = arith.constant 64 : i32
    "tpu.region"() ({
      %run_scoped3A = tpu.sem_alloc : memref<!tpu.dma_semaphore, #tpu.memory_space<semaphore_mem>>
      %dma_start3A_27 = arith.constant 0 : i32
      %dma_start3A_28 = tpu.memref_slice %arg4[%mul3A_2, %dma_start3A_27] : memref<4096x64xf32, #tpu.memory_space<hbm>> -> memref<128x64xf32, #tpu.memory_space<hbm>>
      %dma_start3A_29 = arith.constant 0 : i32
      %dma_start3A_30 = tpu.memref_slice %arg4[%mul3A_2, %dma_start3A_29] : memref<4096x64xf32, #tpu.memory_space<hbm>> -> memref<128x64xf32, #tpu.memory_space<hbm>>
      tpu.enqueue_dma source(%arg8 : memref<128x64xf32, #tpu.memory_space<vmem>>) target(%dma_start3A_30 : memref<128x64xf32, #tpu.memory_space<hbm>>) target_semaphore(%run_scoped3A : memref<!tpu.dma_semaphore, #tpu.memory_space<semaphore_mem>>)
      %dma_wait3A = arith.constant 0 : i32
      %dma_wait3A_31 = tpu.memref_slice %arg4[%mul3A_2, %dma_wait3A] : memref<4096x64xf32, #tpu.memory_space<hbm>> -> memref<128x64xf32, #tpu.memory_space<hbm>>
      %dma_wait3A_32 = arith.constant 0 : i32
      %dma_wait3A_33 = tpu.memref_slice %arg4[%mul3A_2, %dma_wait3A_32] : memref<4096x64xf32, #tpu.memory_space<hbm>> -> memref<128x64xf32, #tpu.memory_space<hbm>>
      tpu.wait_dma2 semaphore(%run_scoped3A : memref<!tpu.dma_semaphore, #tpu.memory_space<semaphore_mem>>) src(%arg8 : memref<128x64xf32, #tpu.memory_space<vmem>>) dst(%dma_wait3A_33 : memref<128x64xf32, #tpu.memory_space<hbm>>)
      tpu.yield
    }) : () -> ()
    return
  }
}

module attributes {stable_mosaic.version = 14 : i64} {
  func.func @_dense_kernel(%arg0: i32, %arg1: memref<512x64xf32, #tpu.memory_space<vmem>>, %arg2: memref<64x128xf32, #tpu.memory_space<vmem>>, %arg3: memref<1x128xf32, #tpu.memory_space<vmem>>, %arg4: memref<512x128xf32, #tpu.memory_space<vmem>>) attributes {dimension_semantics = [#tpu.dimension_semantics<arbitrary>], iteration_bounds = array<i64: 8>, scalar_prefetch = 0 : i64, scratch_operands = 0 : i64, tpu.core_type = #tpu.core_type<tc>, window_params = [{transform_indices = @transform_0, window_bounds = array<i64: 512, 64>}, {pipeline_mode = #tpu.pipeline_mode<synchronous>, transform_indices = @transform_1, window_bounds = array<i64: 64, 128>}, {pipeline_mode = #tpu.pipeline_mode<synchronous>, transform_indices = @transform_2, window_bounds = array<i64: 1, 128>}, {transform_indices = @transform_3, window_bounds = array<i64: 512, 128>}]} {
    %get3A = arith.constant 0 : index
    %get3A_0 = arith.constant 0 : index
    %get3A_1 = vector.load %arg1[%get3A, %get3A_0] : memref<512x64xf32, #tpu.memory_space<vmem>>, vector<512x64xf32>
    %get3A_2 = arith.constant 0 : index
    %get3A_3 = arith.constant 0 : index
    %get3A_4 = vector.load %arg2[%get3A_2, %get3A_3] : memref<64x128xf32, #tpu.memory_space<vmem>>, vector<64x128xf32>
    %dot_general3A = arith.constant dense<0.000000e+00> : vector<512x128xf32>
    %dot_general3A_5 = tpu.matmul %get3A_1, %get3A_4, %dot_general3A {dimension_numbers = #tpu.dot_dimension_numbers<[1], [0], [0], [1], [0, 0, 1, 1], [], []>, transpose_lhs_hint = false} : vector<512x64xf32>, vector<64x128xf32>, vector<512x128xf32> -> vector<512x128xf32>
    %get3A_6 = arith.constant 0 : index
    %get3A_7 = arith.constant 0 : index
    %get3A_8 = vector.load %arg3[%get3A_6, %get3A_7] : memref<1x128xf32, #tpu.memory_space<vmem>>, vector<1x128xf32>
    %add3A = vector.broadcast %get3A_8 : vector<1x128xf32> to vector<512x128xf32>
    %add3A_9 = arith.addf %dot_general3A_5, %add3A : vector<512x128xf32>
    %reduce_max3A = arith.constant dense<0xFF800000> : vector<512xf32>
    %reduce_max3A_10 = vector.multi_reduction <maximumf>, %add3A_9, %reduce_max3A [1] : vector<512x128xf32> to vector<512xf32>
    %broadcast_in_dim3A = vector.shape_cast %reduce_max3A_10 : vector<512xf32> to vector<512x1xf32>
    %sub3A = vector.broadcast %broadcast_in_dim3A : vector<512x1xf32> to vector<512x128xf32>
    %sub3A_11 = arith.subf %add3A_9, %sub3A : vector<512x128xf32>
    %exp3A = math.exp %sub3A_11 : vector<512x128xf32>
    %reduce_sum3A = arith.constant dense<0.000000e+00> : vector<512xf32>
    %reduce_sum3A_12 = vector.multi_reduction <add>, %exp3A, %reduce_sum3A [1] : vector<512x128xf32> to vector<512xf32>
    %broadcast_in_dim3A_13 = vector.shape_cast %reduce_sum3A_12 : vector<512xf32> to vector<512x1xf32>
    %div3A = vector.broadcast %broadcast_in_dim3A_13 : vector<512x1xf32> to vector<512x128xf32>
    %div3A_14 = arith.divf %exp3A, %div3A : vector<512x128xf32>
    %swap3A = arith.constant 0 : index
    %swap3A_15 = arith.constant 0 : index
    %swap3A_16 = vector.load %arg4[%swap3A, %swap3A_15] : memref<512x128xf32, #tpu.memory_space<vmem>>, vector<512x128xf32>
    tpu.vector_store %arg4[%swap3A, %swap3A_15], %div3A_14 {strides = array<i32>} : memref<512x128xf32, #tpu.memory_space<vmem>>, vector<512x128xf32>,
    return
  }
  func.func @transform_0(%arg0: i32) -> (i32, i32) {
    %c0_i32 = arith.constant 0 : i32
    %c0_i32_0 = arith.constant 0 : i32
    return %arg0, %c0_i32 : i32, i32
  }
  func.func @transform_1(%arg0: i32) -> (i32, i32) {
    %c0_i32 = arith.constant 0 : i32
    %c0_i32_0 = arith.constant 0 : i32
    %c0_i32_1 = arith.constant 0 : i32
    return %c0_i32, %c0_i32_0 : i32, i32
  }
  func.func @transform_2(%arg0: i32) -> (i32, i32) {
    %c0_i32 = arith.constant 0 : i32
    %c0_i32_0 = arith.constant 0 : i32
    %c0_i32_1 = arith.constant 0 : i32
    return %c0_i32, %c0_i32_0 : i32, i32
  }
  func.func @transform_3(%arg0: i32) -> (i32, i32) {
    %c0_i32 = arith.constant 0 : i32
    %c0_i32_0 = arith.constant 0 : i32
    return %arg0, %c0_i32 : i32, i32
  }
}

</mosaic_0001>

<sc_bundles>
// kernel: kernel.4.cloned.1.call-start
scs
__scs_entry_jumppad:
0x0: {  	(pc) =	sbr.rel $0x88, $3  }
0x1: {  	(tag) =	ssettag $0x0;
	lr =	simm.s32 $0x1  }
0x2: {  	[smem:$0x3F9D] =	sst lr;
	_ =	strace $0xD0000000  }
0x3: {  	_ = 	snop  }
0x4: {  	_ = 	snop  }
0x5: {  	_ = 	snop  }
0x6: {  	_ = 	snop  }
0x7: {  	_ = 	snop  }
__scs_overlays_trampoline_lowered:
0x8: {  	[smem:$0x3FAC] =	sst s0  }
0x9: {  	[smem:$0x3FAD] =	sst s1  }
0xa: {  	[smem:$0x3FAE] =	sst s2  }
0xb: {  	[smem:$0x3FAF] =	sst s3  }
0xc: {  	[smem:$0x3FB0] =	sst s4  }
0xd: {  	[smem:$0x3FB1] =	sst s5  }
0xe: {  	[smem:$0x3FB2] =	sst s6  }
0xf: {  	[smem:$0x3FB3] =	sst s7  }
0x10: {  	[smem:$0x3FB4] =	sst s8  }
0x11: {  	[smem:$0x3FB5] =	sst s9;
	s0 =	simm.s32 @!p0 $0x0  }
0x12: {  	s1 =	sld [smem:$0x3F9B];
	s0 =	simm.s32 @p0 $0x1  }
0x13: {  	[smem:$0x3FB6] =	sst s0;
	s0 =	simm.s32 @!p1 $0x0  }
0x14: {  	s2 =	sld [smem:$0x3F9A];
	s0 =	simm.s32 @p1 $0x1  }
0x15: {  	[smem:$0x3FB7] =	sst s0;
	s0 =	simm.s32 @!p2 $0x0  }
0x16: {  	s3 =	sld [smem:$0x3FDB];
	s0 =	simm.s32 @p2 $0x1  }
0x17: {  	s4 =	simm.s32 $0x1BF5;
	[smem:$0x3FB9] =	sst s0  }
0x18: {  	s0 =	sld [smem:$0x3F9C];
	_ =	swait.ge [sflag:s4], $0x0  }
0x19: {  	s7 =	sld [smem:$0x3F9D]  }
0x1a: {  	s8 =	sadd.s32 $0xFFFFE003, lr  }
0x1b: {  	s9 =	sadd.s32 $0xFFFFFEF7, lr;
	s5 =	simm.s32 $0xFFFFFFFF;
	p2 =	slt.u32 s8, $0xFFFFF086  }
0x1c: {  	p1 =	slt.u32 s9, $0xF7A;
	s5 =	simm.s32 @!p2 $0x0  }
0x1d: {  	s5 =	simm.s32 @p1 $0x1;
	p0 =	seq.s32 s7, s2  }
0x1e: {  	s7 =	smul.u32 @!p0 $0xF7A, s2;
	p2 =	seq.s32 @!p0 s5, $0x0  }
0x1f: {  	s9 =	smul.u32 $0xF7A, s1;
	s8 =	simm.s32 @!p0 $0x1BF5;
	p2 =	por !p2, p0  }
0x20: {  	[sflag:s8] =	ssyncset.s32 @!p0 $0xFFFFF086;
	s6 =	sadd.s32 @!p0 s3, s7;
	s7 =	simm.s32 @!p0 $0x108  }
0x21: {  	s3 =	sadd.s32 s3, s9;
	s6 =	sadd.s32 @!p0 $0x88, s6;
	s7 =	simm.s32 @p2 $0x1082  }
0x22: {  	[simem:s7], [sflag:s8] =	dma.local @!p0 [hbm:s6], $0xF7A  }
0x23: {  	s9 =	sor.u32 $0xD0000000, s2;
	s6 =	simm.s32 $0x108;
	_ =	swait.ge @!p0 [sflag:s8], $0x0  }
0x24: {  	s3 =	sadd.s32 $0x88, s3;
	s6 =	simm.s32 @!p1 $0x1082;
	[sflag:s4] =	ssyncset.s32 $0xFFFFF086  }
0x25: {  	[simem:s6], [sflag:s4] =	dma.local [hbm:s3], $0xF7A  }
0x26: {  	[smem:$0x3F9D] =	sst s1;
	(tag) =	ssettag s2;
	_ =	strace s9  }
0x27: {  	s1 =	sld [smem:$0x3FAD]  }
0x28: {  	s2 =	sld [smem:$0x3FAE]  }
0x29: {  	s4 =	sld [smem:$0x3FB0]  }
0x2a: {  	p0 =	seq.s32 s5, $0x0;
	s5 =	sld [smem:$0x3FB1]  }
0x2b: {  	s6 =	sld [smem:$0x3FB2]  }
0x2c: {  	s7 =	sld [smem:$0x3FB3]  }
0x2d: {  	s3 =	simm.s32 $0x108;
	s8 =	sld [smem:$0x3FB4]  }
0x2e: {  	s3 =	simm.s32 @!p0 $0x1082;
	s9 =	sld [smem:$0x3FB5]  }
0x2f: {  	lr =	sadd.s32 s0, s3;
	s0 =	sld [smem:$0x3FAC]  }
0x30: {  	s3 =	sld [smem:$0x3FAF]  }
0x31: {  	[smem:$0x3FB8] =	sst s10  }
0x32: {  	s10 =	sld [smem:$0x3FB6];
	_ =	sdelay $0x3  }
0x33: {  	p0 =	seq.s32 s10, $0x1;
	s10 =	sld [smem:$0x3FB8];
	_ =	sdelay $0x3  }
0x34: {  	[smem:$0x3FB8] =	sst s10  }
0x35: {  	s10 =	sld [smem:$0x3FB7];
	_ =	sdelay $0x3  }
0x36: {  	p1 =	seq.s32 s10, $0x1;
	s10 =	sld [smem:$0x3FB8];
	_ =	sdelay $0x3  }
0x37: {  	[smem:$0x3FB8] =	sst s10  }
0x38: {  	s10 =	sld [smem:$0x3FB9]  }
0x39: {  	_ = 	snop;
	(pc) =	sbr.ind lr, $3  }
0x3a: {  	_ = 	snop  }
0x3b: {  	_ = 	snop  }
0x3c: {  	p2 =	seq.s32 s10, $0x1;
	s10 =	sld [smem:$0x3FB8]  }
0x3d: {  	_ =	shalt  }
0x3e: {  	_ =	shalt  }
0x3f: {  	_ =	shalt  }
0x40: {  	_ =	shalt  }
0x41: {  	_ =	shalt  }
0x42: {  	_ =	shalt  }
0x43: {  	_ =	shalt  }
0x44: {  	_ =	shalt  }
0x45: {  	_ =	shalt  }
0x46: {  	_ =	shalt  }
0x47: {  	_ =	shalt  }
0x48: {  	_ =	shalt  }
0x49: {  	_ =	shalt  }
0x4a: {  	_ =	shalt  }
0x4b: {  	_ =	shalt  }
0x4c: {  	_ =	shalt  }
0x4d: {  	_ =	shalt  }
0x4e: {  	_ =	shalt  }
0x4f: {  	_ =	shalt  }
0x50: {  	_ =	shalt  }
0x51: {  	_ =	shalt  }
0x52: {  	_ =	shalt  }
0x53: {  	_ =	shalt  }
0x54: {  	_ =	shalt  }
0x55: {  	_ =	shalt  }
0x56: {  	_ =	shalt  }
0x57: {  	_ =	shalt  }
0x58: {  	_ =	shalt  }
0x59: {  	_ =	shalt  }
0x5a: {  	_ =	shalt  }
0x5b: {  	_ =	shalt  }
0x5c: {  	_ =	shalt  }
0x5d: {  	_ =	shalt  }
0x5e: {  	_ =	shalt  }
0x5f: {  	_ =	shalt  }
0x60: {  	_ =	shalt  }
0x61: {  	_ =	shalt  }
0x62: {  	_ =	shalt  }
0x63: {  	_ =	shalt  }
0x64: {  	_ =	shalt  }
0x65: {  	_ =	shalt  }
0x66: {  	_ =	shalt  }
0x67: {  	_ =	shalt  }
0x68: {  	_ =	shalt  }
0x69: {  	_ =	shalt  }
0x6a: {  	_ =	shalt  }
0x6b: {  	_ =	shalt  }
0x6c: {  	_ =	shalt  }
0x6d: {  	_ =	shalt  }
0x6e: {  	_ =	shalt  }
0x6f: {  	_ =	shalt  }
0x70: {  	_ =	shalt  }
0x71: {  	_ =	shalt  }
0x72: {  	_ =	shalt  }
0x73: {  	_ =	shalt  }
0x74: {  	_ =	shalt  }
0x75: {  	_ =	shalt  }
0x76: {  	_ =	shalt  }
0x77: {  	_ =	shalt  }
0x78: {  	_ =	shalt  }
0x79: {  	_ =	shalt  }
0x7a: {  	_ =	shalt  }
0x7b: {  	_ =	shalt  }
0x7c: {  	_ =	shalt  }
0x7d: {  	_ =	shalt  }
0x7e: {  	_ =	shalt  }
0x7f: {  	_ =	shalt  }
0x80: {  	_ =	shalt  }
0x81: {  	_ =	shalt  }
0x82: {  	_ =	shalt  }
0x83: {  	_ =	shalt  }
0x84: {  	_ =	shalt  }
0x85: {  	_ =	shalt  }
0x86: {  	_ =	shalt  }
0x87: {  	_ =	shalt  }
.Lfunc_end0:
.L_simem_size_0:
called_computation_lowered:
.L_overlay_start_0:
0x88: {  	s2 =	sld [smem:$0x3FD9]  }
0x89: {  	s3 =	sld [smem:$0x3FFE];
	_ =	sdelay $0x1  }
0x8a: {  	s1 =	srdreg.scid  }
0x8b: {  	s0 =	sand.u32 $0x1, s1  }
0x8c: {  	s17 =	sshll.u32 s0, $0xA;
	s2 =	sadd.s32 s3, s2  }
0x8d: {  	s2 =	sadd.s32 s2, s17  }
0x8e: {  	[smem:$0x3FC4] =	sst s2  }
0x8f: {  	_ = 	snop  }
0x90: {  	s2 =	sld [smem:$0x3FD0];
	(tm) =	ssettm $0x1  }
0x91: {  	s18 =	sld [smem:$0x3FFB];
	_ =	sdelay $0x3  }
0x92: {  	_ =	strace s18  }
0x93: {  	s3 =	sld [smem:$0x3FFC];
	_ =	sdelay $0x3  }
0x94: {  	_ =	strace s3  }
0x95: {  	s3 =	sld [smem:$0x3FFD];
	_ =	sdelay $0x3  }
0x96: {  	_ =	strace s3  }
0x97: {  	_ =	strace $0x8FFFFFFF  }
0x98: {  	s19 =	sld [smem:$0x3FDB];
	_ =	sdelay $0x1  }
0x99: {  	s4 =	simm.s32 $_scs_section_size  }
0x9a: {  	s5 =	simm.s32 $_size__tile_overlayer_lowered;
	s6 =	simm.s32 $_tile_overlayer_lowered  }
0x9b: {  	s22 =	simm.s32 $0x1BFF;
	s21 =	sshll.u32 s6, $0x1;
	s3 =	sadd.s32 s4, s19  }
0x9c: {  	s7 =	simm.s32 $0x0;
	s20 =	sshll.u32 s5, $0x1;
	s5 =	sadd.s32 s21, s3  }
0x9d: {  	[timem:s7], [sflag:s22] =	dma.local [hbm:s5], s20  }
0x9e: {  	_ =	swait.ge [sflag:s22], s20  }
0x9f: {  	s4 =	ssub.s32 $0x0, s20;
	[sflag:s22] =	ssyncset.done $0x0  }
0xa0: {  	[sflag:s22] =	ssyncadd.s32 s4;
	_ =	sdelay $0x1  }
0xa1: {  	s23 =	simm.s32 $0x1B8B  }
0xa2: {  	_ =	swait.ge [sflag:s23], $0x1  }
0xa3: {  	[sflag:s23] =	ssyncset.done $0x0  }
0xa4: {  	s25 =	simm.s32 $0x1B8E;
	s24 =	sld [smem:$0x3FFE];
	[sflag:s23] =	ssyncadd.s32 $0xFFFFFFFF  }
0xa5: {  	s26 =	simm.s32 $execute0_lowered;
	[smem:$0x3FD2] =	sst s25  }
0xa6: {  	s5 =	sshll.u32 s26, $0x1;
	_ =	strace $0x80000046;
	[dreg:$0x1] =	wrdreg $0xFFFFFFFF  }
0xa7: {  	s28 =	simm.s32 $_size_execute0_lowered;
	s3 =	sadd.s32 s3, s5;
	[dreg:$0x0] =	wrdreg $0x0  }
0xa8: {  	s5 =	sshll.u32 s28, $0x1;
	[dreg:$0x2] =	wrdreg s3  }
0xa9: {  	[dreg:$0x3] =	wrdreg s5  }
0xaa: {  	[dreg:$0x4] =	wrdreg $0xC0  }
0xab: {  	_ =	task [dreg:s7], $0x5FFFF  }
0xac: {  	[dreg:$0x1] =	wrdreg $0xFFFFFFFF  }
0xad: {  	[dreg:$0x0] =	wrdreg $0x60  }
0xae: {  	[dreg:$0x2] =	wrdreg s24  }
0xaf: {  	[dreg:$0x3] =	wrdreg s2  }
0xb0: {  	[dreg:$0x4] =	wrdreg $0x9  }
0xb1: {  	_ =	task.clear_ibuf [dreg:s7], $0x5FFFF;
	_ =	strace $0x90000046  }
0xb2: {  	s29 =	simm.s32 $0x9;
	_ =	strace $0x80000048  }
0xb3: {  	_ =	swait.ge [sflag:s29], $0x1  }
0xb4: {  	[sflag:s29] =	ssyncadd.s32 $0xFFFFFFFF  }
0xb5: {  	_ =	strace $0x90000048  }
0xb6: {  	_ =	sfence  }
0xb7: {  	s30 =	sld [smem:$0x0];
	_ =	sdelay $0x2  }
0xb8: {  	s31 =	sshll.u32 s1, $0xD;
	s1 =	sshrl.u32 s1, $0x2  }
0xb9: {  	s3 =	sand.u32 $0x4000, s31;
	s1 =	sadd.s32 s1, s30  }
0xba: {  	s0 =	sor.u32 s3, s0;
	s1 =	sshll.u32 s1, $0x11  }
0xbb: {  	s0 =	sor.u32 s1, s0  }
0xbc: {  	s0 =	sadd.s32 $0x8F2B, s0  }
0xbd: {  	[sflag:s0] =	ssyncadd.remote.s32 $0x1  }
0xbe: {  	_ =	sfence.sel $0xFFFF  }
0xbf: {  	[dreg:$0x0] =	wrdreg $0xFFFFFFFF;
	(pc) =	sbr.abs _section_cstart, $3  }
0xc0: {  	[dreg:$0x1] =	wrdreg $0xFFFFFFFF  }
0xc1: {  	_ =	task.clear_ibuf [dreg:s7], $0x2FFFF;
	_ =	strace $0x9FFFFFFF  }
0xc2: {  	(tm) =	ssettm $0x7FFFFFFF  }
0xc3: {  	_ =	shalt  }
tec
execute0_lowered:
.L_overlay_start_1:
0x0: {  	(tag) =	ssettag $0x1  }
0x1: {  	s1 =	srdreg.scid;
	s3 =	rddreg [dreg:$0x0]  }
0x2: {  	s0 =	stileid.u32;
	s5 =	rddreg [dreg:$0x1];
	s2 =	simm.s32 $0x0  }
0x3: {  	s9 =	simm.s32 $0x6400;
	s10 =	simm.s32 $0x48;
	s11 =	simm.s32 $0x8400  }
0x4: {  	s12 =	simm.s32 $0x9600;
	s13 =	simm.s32 $0xB600;
	s14 =	simm.s32 $0x1  }
0x5: {  	s15 =	simm.s32 $0x2;
	s16 =	simm.s32 $0xC800;
	s17 =	simm.s32 $0x0  }
0x6: {  	s4 =	sand.u32 $0x1, s1;
	s31 =	sshll.u32 s0, $0x1;
	s1 =	rddreg [dreg:$0x2]  }
0x7: {  	[smem:$0x7FF] =	sst s2;
	s6 =	sor.u32 s4, s31;
	s4 =	ssub.s32 $0x2, s4  }
0x8: {  	s7 =	smul.u32 $0xC80, s6;
	s8 =	sshrl.u32 s4, $0x1;
	s6 =	sshll.u32 s6, $0xA  }
0x9: {  	_ =	strace $0x80000047;
	s8 =	ssub.s32 s4, s8;
	s5 =	sadd.s32 s5, s6  }
0xa: {  	s7 =	sadd.s32 s7, s3;
	s3 =	sadd.s32 $0xF42E00, s3;
	s6 =	smax.u32 s8, $0x1  }
0xb: {  	s8 =	simm.s32 $0x80;
	s4 =	sadd.s32 $0xA00, s7;
	s7 =	simm.s32 $0x3  }
.LBB2_1:
0xc: {  	[tilespmem:s2], [sflag:$0x3] =	stream.linear.gather [hbm4b:s4+s2], $0x6400, $0x38;
	[tilespmem:$0xE800] =	vst v63  }
0xd: {  	_ =	swait.ge [sflag:s7], $0x6400  }
0xe: {  	[sflag:s7] =	ssyncset.done $0x0  }
0xf: {  	[sflag:s7] =	ssyncadd.s32 $0xFFFF9C00  }
0x10: {  	[tilespmem:s9], [sflag:$0x1] =	stream.indirect.gather [hbm4b:s3+s8], $0x40, s2, s8, $0xb8;
	[tilespmem:$0xE800] =	vst v63  }
0x11: {  	s18 =	simm.s32 $0x0  }
0x12: {  	[tilespmem:s11], [sflag:$0x1] =	stream.indirect.gather [hbm4b:s3+s10], $0x40, s8, s10, $0xb8;
	[tilespmem:$0xE800] =	vst v63  }
.LBB2_2:
0x13: {  	s19 =	sshllo.u32 s18, $0x1  }
0x14: {  	s20 =	smul.u32 $0x320, s19;
	_ =	sdelay $0x1  }
0x15: {  	s20 =	sshra.s32 s20, $0x2  }
0x16: {  	[tilespmem:s12], [sflag:$0x2] =	stream.indirect.gather [hbm4b:s3+s8], $0x40, s20, s8, $0xb8;
	[tilespmem:$0xE800] =	vst v63  }
0x17: {  	s20 =	sadd.s32 $0x80, s20  }
0x18: {  	[tilespmem:s13], [sflag:$0x2] =	stream.indirect.gather [hbm4b:s3+s10], $0x40, s20, s10, $0xb8;
	[tilespmem:$0xE800] =	vst v63  }
0x19: {  	_ =	swait.ge [sflag:s14], $0x2000  }
0x1a: {  	[sflag:s14] =	ssyncset.done $0x0  }
0x1b: {  	[sflag:s14] =	ssyncadd.s32 $0xFFFFE000  }
0x1c: {  	_ =	swait.ge [sflag:s14], $0x1200  }
0x1d: {  	[sflag:s14] =	ssyncset.done $0x0  }
0x1e: {  	s22 =	simm.s32 $0x0;
	[sflag:s14] =	ssyncadd.s32 $0xFFFFEE00  }
0x1f: {  	v0 =	vld [tilespmem:s22+$0x6470]  }
0x20: {  	v1 =	vld [tilespmem:s22+$0x6400]  }
0x21: {  	v2 =	vld [tilespmem:s22+$0x6410]  }
0x22: {  	v5 =	vld [tilespmem:s22+$0x6420]  }
0x23: {  	v6 =	vld [tilespmem:s22+$0x6430]  }
0x24: {  	v3 =	vimm.f32 $0.0e+00;
	v4 =	vimm.f32 $0.0e+00;
	v7 =	vld [tilespmem:s22+$0x6440]  }
0x25: {  	v10 =	vimm.f32 $0.0e+00;
	v8 =	vimm.f32 $0.0e+00;
	v11 =	vld [tilespmem:s22+$0x6450];
	v0 =	vadd.f32 v0, v3  }
0x26: {  	s21 =	simm.s32 $0x400;
	v9 =	vimm.f32 $0.0e+00;
	s20 =	simm.s32 $0x80;
	v12 =	vld [tilespmem:s22+$0x6460];
	v1 =	vadd.f32 v1, v3;
	v2 =	vadd.f32 v2, v3  }
.LBB2_3:
0x27: {  	p0 =	sne.s32 s21, $0xC600;
	v13 =	vld [tilespmem:s20+$0x6470];
	v3 =	vadd.f32 v5, v3  }
0x28: {  	v14 =	vld [tilespmem:s20+$0x6400];
	v4 =	vadd.f32 v6, v4  }
0x29: {  	v15 =	vld [tilespmem:s20+$0x6410];
	v10 =	vadd.f32 v7, v10  }
.Ltmp0:
0x2a: {  	v5 =	vld [tilespmem:s20+$0x6420];
	v8 =	vadd.f32 v11, v8;
	(pc) =	sbr.rel @p0 .LBB2_3-.Ltmp0, $4  }
0x2b: {  	v6 =	vld [tilespmem:s20+$0x6430];
	v9 =	vadd.f32 v12, v9  }
0x2c: {  	v7 =	vld [tilespmem:s20+$0x6440];
	v0 =	vadd.f32 v13, v0  }
0x2d: {  	v1 =	vadd.f32 v14, v1;
	v11 =	vld [tilespmem:s20+$0x6450]  }
0x2e: {  	v2 =	vadd.f32 v15, v2;
	v12 =	vld [tilespmem:s20+$0x6460];
	s20 =	sshra.s32 s21, $0x2;
	s21 =	sadd.s32 $0x200, s21  }
0x2f: {  	v13 =	vld [tilespmem:s20+$0x6470]  }
0x30: {  	v14 =	vld [tilespmem:s20+$0x6400]  }
0x31: {  	v15 =	vld [tilespmem:s20+$0x6410]  }
0x32: {  	v16 =	vld [tilespmem:s20+$0x6420]  }
0x33: {  	v17 =	vld [tilespmem:s20+$0x6440]  }
0x34: {  	v3 =	vadd.f32 v5, v3;
	v5 =	vld [tilespmem:s20+$0x6450]  }
0x35: {  	v4 =	vadd.f32 v6, v4;
	v6 =	vadd.f32 v7, v10;
	v7 =	vld [tilespmem:s20+$0x6460]  }
0x36: {  	v10 =	vld [tilespmem:s20+$0x6430];
	v8 =	vadd.f32 v11, v8;
	v9 =	vadd.f32 v12, v9  }
0x37: {  	v0 =	vadd.f32 v13, v0;
	v1 =	vadd.f32 v14, v1  }
0x38: {  	v2 =	vadd.f32 v15, v2;
	v6 =	vadd.f32 v17, v6  }
0x39: {  	v3 =	vadd.f32 v16, v3;
	v5 =	vadd.f32 v5, v8  }
0x3a: {  	s30 =	sshll.u32 s18, $0x7;
	v7 =	vadd.f32 v7, v9;
	v1 =	vadd.f32 v6, v1  }
0x3b: {  	p0 =	seq.s32 s18, $0x3F;
	s20 =	sand.u32 $0x3FFFFF80, s30;
	v4 =	vadd.f32 v10, v4;
	v2 =	vadd.f32 v5, v2  }
0x3c: {  	s21 =	smul.u32 @!p0 $0x640, s18;
	[tilespmem:s20+$0xC800] =	vst v1;
	v1 =	vadd.f32 v7, v3  }
0x3d: {  	[tilespmem:s20+$0xC810] =	vst v2;
	v0 =	vadd.f32 v0, v4  }
0x3e: {  	s21 =	sshra.s32 @!p0 s21, $0x2;
	[tilespmem:s20+$0xC820] =	vst v1  }
0x3f: {  	s22 =	simm.s32 @!p0 $0x80;
	s23 =	simm.s32 @!p0 $0x6400;
	[tilespmem:s20+$0xC830] =	vst v0;
	s20 =	sadd.s32 @!p0 $0x190, s21  }
0x40: {  	[tilespmem:s23], [sflag:$0x1] =	stream.indirect.gather @!p0 [hbm4b:s3+s22], $0x40, s20, s22, $0xb8;
	[tilespmem:$0xE800] =	vst v63  }
0x41: {  	s20 =	sadd.s32 @!p0 $0x210, s21;
	s21 =	simm.s32 @!p0 $0x48;
	s22 =	simm.s32 @!p0 $0x8400  }
0x42: {  	[tilespmem:s22], [sflag:$0x1] =	stream.indirect.gather @!p0 [hbm4b:s3+s21], $0x40, s20, s21, $0xb8;
	[tilespmem:$0xE800] =	vst v63  }
0x43: {  	_ =	swait.ge [sflag:s15], $0x2000  }
0x44: {  	[sflag:s15] =	ssyncset.done $0x0  }
0x45: {  	[sflag:s15] =	ssyncadd.s32 $0xFFFFE000  }
0x46: {  	_ =	swait.ge [sflag:s15], $0x1200  }
0x47: {  	[sflag:s15] =	ssyncset.done $0x0  }
0x48: {  	s31 =	simm.s32 $0x0;
	[sflag:s15] =	ssyncadd.s32 $0xFFFFEE00  }
0x49: {  	v0 =	vld [tilespmem:s31+$0x9670]  }
0x4a: {  	v1 =	vld [tilespmem:s31+$0x9600]  }
0x4b: {  	v2 =	vld [tilespmem:s31+$0x9610]  }
0x4c: {  	v5 =	vld [tilespmem:s31+$0x9620]  }
0x4d: {  	v6 =	vld [tilespmem:s31+$0x9630]  }
0x4e: {  	v8 =	vimm.f32 $0.0e+00;
	v3 =	vimm.f32 $0.0e+00;
	v7 =	vld [tilespmem:s31+$0x9640]  }
0x4f: {  	v10 =	vimm.f32 $0.0e+00;
	v9 =	vimm.f32 $0.0e+00;
	v11 =	vld [tilespmem:s31+$0x9650];
	v0 =	vadd.f32 v0, v3  }
0x50: {  	v4 =	vimm.f32 $0.0e+00;
	s20 =	simm.s32 $0x80;
	s21 =	simm.s32 $0x400;
	v12 =	vld [tilespmem:s31+$0x9660];
	v1 =	vadd.f32 v1, v3;
	v2 =	vadd.f32 v2, v3  }
.LBB2_5:
0x51: {  	p0 =	sne.s32 s21, $0xC600;
	v13 =	vld [tilespmem:s20+$0x9670];
	v3 =	vadd.f32 v5, v3  }
0x52: {  	v14 =	vld [tilespmem:s20+$0x9600];
	v4 =	vadd.f32 v6, v4  }
0x53: {  	v15 =	vld [tilespmem:s20+$0x9610];
	v10 =	vadd.f32 v7, v10  }
.Ltmp1:
0x54: {  	v5 =	vld [tilespmem:s20+$0x9620];
	v8 =	vadd.f32 v11, v8;
	(pc) =	sbr.rel @p0 .LBB2_5-.Ltmp1, $4  }
0x55: {  	v6 =	vld [tilespmem:s20+$0x9630];
	v9 =	vadd.f32 v12, v9  }
0x56: {  	v7 =	vld [tilespmem:s20+$0x9640];
	v0 =	vadd.f32 v13, v0  }
0x57: {  	v1 =	vadd.f32 v14, v1;
	v11 =	vld [tilespmem:s20+$0x9650]  }
0x58: {  	v2 =	vadd.f32 v15, v2;
	v12 =	vld [tilespmem:s20+$0x9660];
	s20 =	sshra.s32 s21, $0x2;
	s21 =	sadd.s32 $0x200, s21  }
0x59: {  	v13 =	vld [tilespmem:s20+$0x9670]  }
0x5a: {  	v14 =	vld [tilespmem:s20+$0x9600]  }
0x5b: {  	v15 =	vld [tilespmem:s20+$0x9610]  }
0x5c: {  	v16 =	vld [tilespmem:s20+$0x9620]  }
0x5d: {  	v17 =	vld [tilespmem:s20+$0x9640]  }
0x5e: {  	v3 =	vadd.f32 v5, v3;
	v59 =	vld [tilespmem:s20+$0x9650]  }
0x5f: {  	v62 =	vld [tilespmem:s20+$0x9630];
	v4 =	vadd.f32 v6, v4;
	v60 =	vadd.f32 v7, v10  }
0x60: {  	v61 =	vld [tilespmem:s20+$0x9660];
	v8 =	vadd.f32 v11, v8;
	v9 =	vadd.f32 v12, v9  }
0x61: {  	v0 =	vadd.f32 v13, v0;
	v1 =	vadd.f32 v14, v1  }
0x62: {  	v2 =	vadd.f32 v15, v2;
	v6 =	vadd.f32 v17, v60  }
0x63: {  	s18 =	sadd.s32 $0x1, s18;
	v3 =	vadd.f32 v16, v3;
	v5 =	vadd.f32 v59, v8  }
0x64: {  	s19 =	sshll.u32 s19, $0x6;
	p0 =	sne.s32 s18, $0x40;
	v4 =	vadd.f32 v62, v4;
	v1 =	vadd.f32 v6, v1  }
.Ltmp2:
0x65: {  	s19 =	sand.u32 $0x3FFFFFC0, s19;
	v7 =	vadd.f32 v61, v9;
	v2 =	vadd.f32 v5, v2;
	(pc) =	sbr.rel @p0 .LBB2_2-.Ltmp2, $4  }
0x66: {  	v0 =	vadd.f32 v0, v4;
	[tilespmem:s19+$0xC800] =	vst v1  }
0x67: {  	v63 =	vadd.f32 v7, v3;
	[tilespmem:s19+$0xC810] =	vst v2  }
0x68: {  	[tilespmem:s19+$0xC830] =	vst v0  }
0x69: {  	[tilespmem:s19+$0xC820] =	vst v63  }
0x6a: {  	s17 =	sadd.s32 $0x1, s17  }
0x6b: {  	p0 =	sne.s32 s17, s6  }
.Ltmp3:
0x6c: {  	_ = 	snop;
	(pc) =	sbr.rel @p0 .LBB2_1-.Ltmp3, $4  }
0x6d: {  	[hbm4b:s5+s2] =	stream.linear.scatter [tilespmem:s16], [sflag:$0x3], $0x2000, $0x38;
	[tilespmem:$0xE800] =	vst v63  }
0x6e: {  	_ =	swait.ge [sflag:s7], $0x2000  }
0x6f: {  	[sflag:s7] =	ssyncset.done $0x0  }
0x70: {  	[sflag:s7] =	ssyncadd.s32 $0xFFFFE000  }
0x71: {  	_ =	sfence.sel $0x180000  }
0x72: {  	[bflag:$0x0] =	sbarrier.arrive $0xFFFF  }
0x73: {  	p0 =	sne.s32 s0, $0x0;
	_ =	strace $0x90000047  }
0x74: {  	s0 =	sadd.s32 @!p0 $0x100000, s1;
	[bflag:$0x2] =	sbarrier.arrive $0xFFFF  }
0x75: {  	[sflag:s0] =	ssyncadd.tile.s32 @!p0 $0x1;
	_ =	shalt  }
.Lfunc_end2:
_tile_overlayer_lowered:
.L_overlay_start_2:
0x76: {  	(tag) =	ssettag $0x2  }
0x77: {  	s0 =	rddreg [dreg:$0x0];
	s2 =	stileid.u32  }
0x78: {  	s1 =	rddreg [dreg:$0x1];
	p0 =	sne.s32 s2, $0x0  }
0x79: {  	s3 =	rddreg [dreg:$0x2];
	[bflag:$0x3] =	sbarrier.arrive $0xFFFF;
	s2 =	simm.s32 @!p0 $0x1C03  }
0x7a: {  	[timem:s3], [sflag:s2] =	dma.local @!p0 [hbm:s0], s1  }
0x7b: {  	s0 =	simm.s32 @!p0 $0x3  }
0x7c: {  	_ =	swait.ge @!p0 [sflag:s0], s1  }
0x7d: {  	s1 =	ssub.s32 @!p0 $0x0, s1;
	[sflag:s0] =	ssyncset.done @!p0 $0x0  }
0x7e: {  	[sflag:s0] =	ssyncadd.s32 @!p0 s1  }
0x7f: {  	[bflag:$0x3] =	sbarrier.arrive $0xFFFF  }
0x80: {  	_ =	shalt  }

</sc_bundles>
